<compile_context>
chip_gen: v7x
topology: tpu7x:2x2x1
jax: 0.10.2.dev20260603
libtpu: 0.0.44.dev20260713+nightly
codegen_flags: <defaults>
</compile_context>

<pallas_src>
import functools

import jax
import jax.numpy as jnp
from jax import lax
from jax.experimental import pallas as pl
from jax.experimental.pallas import tpu as pltpu
from jax.experimental.pallas import tpu_sc as plsc

B = 512
D = 4096
R = 64
N = 64
G = 8
STEPS = N // G


def _f16_bits_to_f32(h32):
    f32bits = ((h32 & 0x8000) << 16) | ((h32 & 0x7FFF) << 13)
    return pltpu.bitcast(f32bits, jnp.float32) * jnp.float32(2.0 ** 112)


def _mm_body(x_ref, a_ref, y_ref):
    a = _f16_bits_to_f32(a_ref[...].astype(jnp.int32)).astype(jnp.bfloat16)
    w = jnp.concatenate([a[i * D:(i + 1) * D, :] for i in range(G)], axis=1)
    y_ref[...] = lax.dot_general(
        x_ref[...], w, (((1,), (0,)), ((), ())),
        preferred_element_type=jnp.float32)


def _dense_all_adapters(x2d, lora_bits):
    return pl.pallas_call(
        _mm_body,
        grid=(STEPS,),
        in_specs=[
            pl.BlockSpec((B, D), lambda g: (0, 0)),
            pl.BlockSpec((G * D, R), lambda g: (g, 0)),
        ],
        out_specs=pl.BlockSpec((B, G * R), lambda g: (0, g)),
        out_shape=jax.ShapeDtypeStruct((B, N * R), jnp.float32),
    )(x2d, lora_bits)


_NC = 2
_NS = 16
_NW = _NC * _NS
_BPW = B // _NW


_RPT = N * R // 128


@functools.cache
def _make_route_gather():
    @functools.partial(
        pl.kernel,
        out_type=jax.ShapeDtypeStruct((B, 2 * R), jnp.float32),
        mesh=plsc.VectorSubcoreMesh(core_axis_name="c", subcore_axis_name="s"),
        scratch_types=[
            pltpu.VMEM((_BPW,), jnp.int32),
            pltpu.VMEM((_BPW,), jnp.int32),
            pltpu.VMEM((_BPW, 2 * R), jnp.float32),
            pltpu.SemaphoreType.DMA,
        ],
    )
    def _route_gather(y_hbm, wids_hbm, out_hbm, wids_v, idx_v, rows_v, sem):
        wid = lax.axis_index("s") * _NC + lax.axis_index("c")
        base = wid * _BPW
        pltpu.sync_copy(wids_hbm.at[pl.ds(base, _BPW)], wids_v)
        lane = lax.iota(jnp.int32, _BPW)
        idx_v[...] = (base + lane) * _RPT + (wids_v[...] >> 1)
        pltpu.async_copy(y_hbm.at[idx_v], rows_v, sem).wait()
        pltpu.sync_copy(rows_v, out_hbm.at[pl.ds(base, _BPW)])

    return _route_gather


def kernel(x, wids, lora_A):
    x2d = x.reshape(B, D).astype(jnp.bfloat16)
    lora_bits = lax.bitcast_convert_type(lora_A, jnp.int16).reshape(N * D, R)
    y = _dense_all_adapters(x2d, lora_bits)
    h = _make_route_gather()(
        y.reshape(B * N * R // 128, 128), wids)
    out = jnp.where((wids % 2 == 1)[:, None], h[:, R:], h[:, :R])
    return out.astype(jnp.float16).reshape(B, 1, R)

# --- scband reference (transcript-rebuilt; emitter-appended) ---
"""Pipeline reference for scband-padded-lora-a-59459527246473 (READ-ONLY COPY).

The authoritative reference and input builder live on the scoring server;
editing this copy changes nothing except your own understanding.
"""

import jax, jax.numpy as jnp
import numpy as np

B = 512
D = 4096
R = 64
N_ADAPTERS = 64

def setup_inputs(seed: int = 0) -> dict:
    key = jax.random.key(seed)
    k1, k2, k3 = jax.random.split(key, 3)
    x = jax.random.normal(k1, (B, 1, D), dtype=jnp.float32).astype(jnp.float16)
    wids = jax.random.randint(k2, (B,), 0, N_ADAPTERS, dtype=jnp.int32)
    lora_A = (jax.random.normal(k3, (N_ADAPTERS, D, R), dtype=jnp.float32) * 0.02).astype(jnp.float16)
    return {"x": x, "wids": wids, "lora_A": lora_A}

def reference(x, wids, lora_A):
    # Gather per-token LoRA-A matrices by adapter id, then batched matmul.
    # x: [B, 1, D] fp16; lora_A: [N, D, R] fp16; wids: [B] int32
    gathered = jnp.take(lora_A, wids, axis=0)          # [B, D, R]
    out = jnp.matmul(x, gathered)                       # [B, 1, R]
    return out

if __name__ == "__main__":
    import jax
    _d = setup_inputs()
    print(jax.jit(kernel)(*tuple(_d.values())))

</pallas_src>

<mosaic_0001>
#map = affine_map<(d0, d1) -> (0, 0)>
#map1 = affine_map<(d0, d1) -> (0)>
module attributes {stable_mosaic.version = 14 : i64} {
  func.func @_route_gather(%arg0: i32, %arg1: i32, %arg2: memref<16384x128xf32, #tpu.memory_space<hbm>>, %arg3: memref<512xi32, #tpu.memory_space<hbm>>, %arg4: memref<512x128xf32, #tpu.memory_space<hbm>>, %arg5: memref<16xi32, #tpu.memory_space<vmem>>, %arg6: memref<16xi32, #tpu.memory_space<vmem>>, %arg7: memref<16x128xf32, #tpu.memory_space<vmem>>, %arg8: memref<!tpu.dma_semaphore, #tpu.memory_space<semaphore_mem>>) attributes {dimension_semantics = [#tpu.dimension_semantics<core_parallel>, #tpu.dimension_semantics<subcore_parallel>], iteration_bounds = array<i64: 2, 16>, scalar_prefetch = 0 : i64, scratch_operands = 4 : i64, tpu.core_type = #tpu.core_type<sc_vector_subcore>, window_params = [{transform_indices = #map}, {transform_indices = #map1}, {transform_indices = #map}]} {
    %mul3A = arith.constant 2 : i32
    %mul3A_0 = arith.muli %arg1, %mul3A : i32
    %add3A = arith.addi %mul3A_0, %arg0 : i32
    %mul3A_1 = arith.constant 16 : i32
    %mul3A_2 = arith.muli %add3A, %mul3A_1 : i32
    "tpu.region"() ({
      %run_scoped3A = tpu.sem_alloc : memref<!tpu.dma_semaphore, #tpu.memory_space<semaphore_mem>>
      %dma_start3A_20 = tpu.memref_slice %arg3[%mul3A_2] : memref<512xi32, #tpu.memory_space<hbm>> -> memref<16xi32, #tpu.memory_space<hbm>>
      %dma_start3A_21 = tpu.memref_slice %arg3[%mul3A_2] : memref<512xi32, #tpu.memory_space<hbm>> -> memref<16xi32, #tpu.memory_space<hbm>>
      tpu.enqueue_dma source(%dma_start3A_21 : memref<16xi32, #tpu.memory_space<hbm>>) target(%arg5 : memref<16xi32, #tpu.memory_space<vmem>>) target_semaphore(%run_scoped3A : memref<!tpu.dma_semaphore, #tpu.memory_space<semaphore_mem>>)
      %dma_wait3A_22 = tpu.memref_slice %arg3[%mul3A_2] : memref<512xi32, #tpu.memory_space<hbm>> -> memref<16xi32, #tpu.memory_space<hbm>>
      %dma_wait3A_23 = tpu.memref_slice %arg3[%mul3A_2] : memref<512xi32, #tpu.memory_space<hbm>> -> memref<16xi32, #tpu.memory_space<hbm>>
      tpu.wait_dma2 semaphore(%run_scoped3A : memref<!tpu.dma_semaphore, #tpu.memory_space<semaphore_mem>>) src(%dma_wait3A_23 : memref<16xi32, #tpu.memory_space<hbm>>) dst(%arg5 : memref<16xi32, #tpu.memory_space<vmem>>)
      tpu.yield
    }) : () -> ()
    %iota3A = tpu.iota {dimensions = array<i32: 0>} : vector<16xi32>
    %add3A_3 = vector.broadcast %mul3A_2 : i32 to vector<16xi32>
    %add3A_4 = arith.addi %add3A_3, %iota3A : vector<16xi32>
    %mul3A_5 = arith.constant 32 : i32
    %mul3A_6 = vector.broadcast %mul3A_5 : i32 to vector<16xi32>
    %mul3A_7 = arith.muli %add3A_4, %mul3A_6 : vector<16xi32>
    %get3A = arith.constant 0 : index
    %get3A_8 = tpu.vector_load %arg5[%get3A] {strides = array<i32>} : memref<16xi32, #tpu.memory_space<vmem>>, vector<16xi32>,
    %get3A_9 = vector.shape_cast %get3A_8 : vector<16xi32> to vector<16xi32>
    %shift_right_arithmetic3A = arith.constant 1 : i32
    %shift_right_arithmetic3A_10 = vector.broadcast %shift_right_arithmetic3A : i32 to vector<16xi32>
    %shift_right_arithmetic3A_11 = arith.shrsi %get3A_9, %shift_right_arithmetic3A_10 : vector<16xi32>
    %add3A_12 = arith.addi %mul3A_7, %shift_right_arithmetic3A_11 : vector<16xi32>
    %swap3A = arith.constant 0 : index
    %swap3A_13 = tpu.vector_load %arg6[%swap3A] {strides = array<i32>} : memref<16xi32, #tpu.memory_space<vmem>>, vector<16xi32>,
    %swap3A_14 = vector.shape_cast %swap3A_13 : vector<16xi32> to vector<16xi32>
    %swap3A_15 = vector.shape_cast %add3A_12 : vector<16xi32> to vector<16xi32>
    tpu.vector_store %arg6[%swap3A], %swap3A_15 {strides = array<i32>} : memref<16xi32, #tpu.memory_space<vmem>>, vector<16xi32>,
    %dma_start3A = arith.constant 0 : i32
    %dma_start3A_16 = arith.constant 0 : i32
    %dma_start3A_17 = tpu.memref_slice %arg2[%dma_start3A, %dma_start3A_16] : memref<16384x128xf32, #tpu.memory_space<hbm>> -> memref<16384x128xf32, #tpu.memory_space<hbm>>
    tpu.enqueue_indirect_dma source(%dma_start3A_17 : memref<16384x128xf32, #tpu.memory_space<hbm>>) target(%arg7 : memref<16x128xf32, #tpu.memory_space<vmem>>) offsets(%arg6 : memref<16xi32, #tpu.memory_space<vmem>>) semaphore(%arg8 : memref<!tpu.dma_semaphore, #tpu.memory_space<semaphore_mem>>)
    %dma_wait3A = arith.constant 0 : i32
    %dma_wait3A_18 = arith.constant 0 : i32
    %dma_wait3A_19 = tpu.memref_slice %arg2[%dma_wait3A, %dma_wait3A_18] : memref<16384x128xf32, #tpu.memory_space<hbm>> -> memref<16384x128xf32, #tpu.memory_space<hbm>>
    tpu.wait_indirect_dma semaphore(%arg8 : memref<!tpu.dma_semaphore, #tpu.memory_space<semaphore_mem>>) src(%dma_wait3A_19 : memref<16384x128xf32, #tpu.memory_space<hbm>>) dst(%arg7 : memref<16x128xf32, #tpu.memory_space<vmem>>)
    "tpu.region"() ({
      %run_scoped3A = tpu.sem_alloc : memref<!tpu.dma_semaphore, #tpu.memory_space<semaphore_mem>>
      %dma_start3A_20 = arith.constant 0 : i32
      %dma_start3A_21 = tpu.memref_slice %arg4[%mul3A_2, %dma_start3A_20] : memref<512x128xf32, #tpu.memory_space<hbm>> -> memref<16x128xf32, #tpu.memory_space<hbm>>
      %dma_start3A_22 = arith.constant 0 : i32
      %dma_start3A_23 = tpu.memref_slice %arg4[%mul3A_2, %dma_start3A_22] : memref<512x128xf32, #tpu.memory_space<hbm>> -> memref<16x128xf32, #tpu.memory_space<hbm>>
      tpu.enqueue_dma source(%arg7 : memref<16x128xf32, #tpu.memory_space<vmem>>) target(%dma_start3A_23 : memref<16x128xf32, #tpu.memory_space<hbm>>) target_semaphore(%run_scoped3A : memref<!tpu.dma_semaphore, #tpu.memory_space<semaphore_mem>>)
      %dma_wait3A_24 = arith.constant 0 : i32
      %dma_wait3A_25 = tpu.memref_slice %arg4[%mul3A_2, %dma_wait3A_24] : memref<512x128xf32, #tpu.memory_space<hbm>> -> memref<16x128xf32, #tpu.memory_space<hbm>>
      %dma_wait3A_26 = arith.constant 0 : i32
      %dma_wait3A_27 = tpu.memref_slice %arg4[%mul3A_2, %dma_wait3A_26] : memref<512x128xf32, #tpu.memory_space<hbm>> -> memref<16x128xf32, #tpu.memory_space<hbm>>
      tpu.wait_dma2 semaphore(%run_scoped3A : memref<!tpu.dma_semaphore, #tpu.memory_space<semaphore_mem>>) src(%arg7 : memref<16x128xf32, #tpu.memory_space<vmem>>) dst(%dma_wait3A_27 : memref<16x128xf32, #tpu.memory_space<hbm>>)
      tpu.yield
    }) : () -> ()
    return
  }
}

module attributes {stable_mosaic.version = 14 : i64} {
  func.func @_mm_body(%arg0: i32, %arg1: memref<512x4096xbf16, #tpu.memory_space<vmem>>, %arg2: memref<32768x64xi16, #tpu.memory_space<vmem>>, %arg3: memref<512x512xf32, #tpu.memory_space<vmem>>) attributes {dimension_semantics = [#tpu.dimension_semantics<arbitrary>], iteration_bounds = array<i64: 8>, scalar_prefetch = 0 : i64, scratch_operands = 0 : i64, tpu.core_type = #tpu.core_type<tc>, window_params = [{pipeline_mode = #tpu.pipeline_mode<synchronous>, transform_indices = @transform_0, window_bounds = array<i64: 512, 4096>}, {transform_indices = @transform_1, window_bounds = array<i64: 32768, 64>}, {transform_indices = @transform_2, window_bounds = array<i64: 512, 512>}]} {
    %get3A = arith.constant 0 : index
    %get3A_0 = arith.constant 0 : index
    %get3A_1 = vector.load %arg2[%get3A, %get3A_0] : memref<32768x64xi16, #tpu.memory_space<vmem>>, vector<32768x64xi16>
    %convert_element_type3A = arith.extsi %get3A_1 : vector<32768x64xi16> to vector<32768x64xi32>
    %and3A = arith.constant 32768 : i32
    %and3A_2 = vector.broadcast %and3A : i32 to vector<32768x64xi32>
    %and3A_3 = arith.andi %convert_element_type3A, %and3A_2 : vector<32768x64xi32>
    %shift_left3A = arith.constant 16 : i32
    %shift_left3A_4 = vector.broadcast %shift_left3A : i32 to vector<32768x64xi32>
    %shift_left3A_5 = arith.shli %and3A_3, %shift_left3A_4 : vector<32768x64xi32>
    %and3A_6 = arith.constant 32767 : i32
    %and3A_7 = vector.broadcast %and3A_6 : i32 to vector<32768x64xi32>
    %and3A_8 = arith.andi %convert_element_type3A, %and3A_7 : vector<32768x64xi32>
    %shift_left3A_9 = arith.constant 13 : i32
    %shift_left3A_10 = vector.broadcast %shift_left3A_9 : i32 to vector<32768x64xi32>
    %shift_left3A_11 = arith.shli %and3A_8, %shift_left3A_10 : vector<32768x64xi32>
    %or3A = arith.ori %shift_left3A_5, %shift_left3A_11 : vector<32768x64xi32>
    %bitcast3A = tpu.bitcast %or3A : vector<32768x64xi32> -> vector<32768x64xf32>
    %mul3A = arith.constant 5.19229686E+33 : f32
    %mul3A_12 = vector.broadcast %mul3A : f32 to vector<32768x64xf32>
    %mul3A_13 = arith.mulf %bitcast3A, %mul3A_12 : vector<32768x64xf32>
    %convert_element_type3A_14 = arith.truncf %mul3A_13 : vector<32768x64xf32> to vector<32768x64xbf16>
    %slice3A = vector.extract_strided_slice %convert_element_type3A_14 {offsets = [0, 0], sizes = [4096, 64], strides = [1, 1]} : vector<32768x64xbf16> to vector<4096x64xbf16>
    %slice3A_15 = vector.extract_strided_slice %convert_element_type3A_14 {offsets = [4096, 0], sizes = [4096, 64], strides = [1, 1]} : vector<32768x64xbf16> to vector<4096x64xbf16>
    %slice3A_16 = vector.extract_strided_slice %convert_element_type3A_14 {offsets = [8192, 0], sizes = [4096, 64], strides = [1, 1]} : vector<32768x64xbf16> to vector<4096x64xbf16>
    %slice3A_17 = vector.extract_strided_slice %convert_element_type3A_14 {offsets = [12288, 0], sizes = [4096, 64], strides = [1, 1]} : vector<32768x64xbf16> to vector<4096x64xbf16>
    %slice3A_18 = vector.extract_strided_slice %convert_element_type3A_14 {offsets = [16384, 0], sizes = [4096, 64], strides = [1, 1]} : vector<32768x64xbf16> to vector<4096x64xbf16>
    %slice3A_19 = vector.extract_strided_slice %convert_element_type3A_14 {offsets = [20480, 0], sizes = [4096, 64], strides = [1, 1]} : vector<32768x64xbf16> to vector<4096x64xbf16>
    %slice3A_20 = vector.extract_strided_slice %convert_element_type3A_14 {offsets = [24576, 0], sizes = [4096, 64], strides = [1, 1]} : vector<32768x64xbf16> to vector<4096x64xbf16>
    %slice3A_21 = vector.extract_strided_slice %convert_element_type3A_14 {offsets = [28672, 0], sizes = [4096, 64], strides = [1, 1]} : vector<32768x64xbf16> to vector<4096x64xbf16>
    %concatenate3A = tpu.concatenate %slice3A, %slice3A_15, %slice3A_16, %slice3A_17, %slice3A_18, %slice3A_19, %slice3A_20, %slice3A_21 in 1 : vector<4096x64xbf16>, vector<4096x64xbf16>, vector<4096x64xbf16>, vector<4096x64xbf16>, vector<4096x64xbf16>, vector<4096x64xbf16>, vector<4096x64xbf16>, vector<4096x64xbf16> -> vector<4096x512xbf16>
    %get3A_22 = arith.constant 0 : index
    %get3A_23 = arith.constant 0 : index
    %get3A_24 = vector.load %arg1[%get3A_22, %get3A_23] : memref<512x4096xbf16, #tpu.memory_space<vmem>>, vector<512x4096xbf16>
    %dot_general3A = arith.constant dense<0.000000e+00> : vector<512x512xf32>
    %dot_general3A_25 = tpu.matmul %get3A_24, %concatenate3A, %dot_general3A {dimension_numbers = #tpu.dot_dimension_numbers<[1], [0], [0], [1], [0, 0, 1, 1], [], []>, transpose_lhs_hint = false} : vector<512x4096xbf16>, vector<4096x512xbf16>, vector<512x512xf32> -> vector<512x512xf32>
    %swap3A = arith.constant 0 : index
    %swap3A_26 = arith.constant 0 : index
    %swap3A_27 = vector.load %arg3[%swap3A, %swap3A_26] : memref<512x512xf32, #tpu.memory_space<vmem>>, vector<512x512xf32>
    tpu.vector_store %arg3[%swap3A, %swap3A_26], %dot_general3A_25 {strides = array<i32>} : memref<512x512xf32, #tpu.memory_space<vmem>>, vector<512x512xf32>,
    return
  }
  func.func @transform_0(%arg0: i32) -> (i32, i32) {
    %c0_i32 = arith.constant 0 : i32
    %c0_i32_0 = arith.constant 0 : i32
    %c0_i32_1 = arith.constant 0 : i32
    return %c0_i32, %c0_i32_0 : i32, i32
  }
  func.func @transform_1(%arg0: i32) -> (i32, i32) {
    %c0_i32 = arith.constant 0 : i32
    %c0_i32_0 = arith.constant 0 : i32
    return %arg0, %c0_i32 : i32, i32
  }
  func.func @transform_2(%arg0: i32) -> (i32, i32) {
    %c0_i32 = arith.constant 0 : i32
    %c0_i32_0 = arith.constant 0 : i32
    return %c0_i32, %arg0 : i32, i32
  }
}

</mosaic_0001>

<sc_bundles>
// kernel: kernel.4.cloned.1.call-start
scs
__scs_entry_jumppad:
0x0: {  	(pc) =	sbr.rel $0x88, $3  }
0x1: {  	(tag) =	ssettag $0x0;
	lr =	simm.s32 $0x1  }
0x2: {  	[smem:$0x3F9E] =	sst lr;
	_ =	strace $0xD0000000  }
0x3: {  	_ = 	snop  }
0x4: {  	_ = 	snop  }
0x5: {  	_ = 	snop  }
0x6: {  	_ = 	snop  }
0x7: {  	_ = 	snop  }
__scs_overlays_trampoline_lowered:
0x8: {  	[smem:$0x3FAD] =	sst s0  }
0x9: {  	[smem:$0x3FAE] =	sst s1  }
0xa: {  	[smem:$0x3FAF] =	sst s2  }
0xb: {  	[smem:$0x3FB0] =	sst s3  }
0xc: {  	[smem:$0x3FB1] =	sst s4  }
0xd: {  	[smem:$0x3FB2] =	sst s5  }
0xe: {  	[smem:$0x3FB3] =	sst s6  }
0xf: {  	[smem:$0x3FB4] =	sst s7  }
0x10: {  	[smem:$0x3FB5] =	sst s8  }
0x11: {  	[smem:$0x3FB6] =	sst s9;
	s0 =	simm.s32 @!p0 $0x0  }
0x12: {  	s1 =	sld [smem:$0x3F9C];
	s0 =	simm.s32 @p0 $0x1  }
0x13: {  	[smem:$0x3FB7] =	sst s0;
	s0 =	simm.s32 @!p1 $0x0  }
0x14: {  	s2 =	sld [smem:$0x3F9B];
	s0 =	simm.s32 @p1 $0x1  }
0x15: {  	[smem:$0x3FB8] =	sst s0;
	s0 =	simm.s32 @!p2 $0x0  }
0x16: {  	s3 =	sld [smem:$0x3FDB];
	s0 =	simm.s32 @p2 $0x1  }
0x17: {  	s4 =	simm.s32 $0x1BF5;
	[smem:$0x3FBA] =	sst s0  }
0x18: {  	s0 =	sld [smem:$0x3F9D];
	_ =	swait.ge [sflag:s4], $0x0  }
0x19: {  	s7 =	sld [smem:$0x3F9E]  }
0x1a: {  	s8 =	sadd.s32 $0xFFFFE003, lr  }
0x1b: {  	s9 =	sadd.s32 $0xFFFFFEF7, lr;
	s5 =	simm.s32 $0xFFFFFFFF;
	p2 =	slt.u32 s8, $0xFFFFF086  }
0x1c: {  	p1 =	slt.u32 s9, $0xF7A;
	s5 =	simm.s32 @!p2 $0x0  }
0x1d: {  	s5 =	simm.s32 @p1 $0x1;
	p0 =	seq.s32 s7, s2  }
0x1e: {  	s7 =	smul.u32 @!p0 $0xF7A, s2;
	p2 =	seq.s32 @!p0 s5, $0x0  }
0x1f: {  	s9 =	smul.u32 $0xF7A, s1;
	s8 =	simm.s32 @!p0 $0x1BF5;
	p2 =	por !p2, p0  }
0x20: {  	[sflag:s8] =	ssyncset.s32 @!p0 $0xFFFFF086;
	s6 =	sadd.s32 @!p0 s3, s7;
	s7 =	simm.s32 @!p0 $0x108  }
0x21: {  	s3 =	sadd.s32 s3, s9;
	s6 =	sadd.s32 @!p0 $0x88, s6;
	s7 =	simm.s32 @p2 $0x1082  }
0x22: {  	[simem:s7], [sflag:s8] =	dma.local @!p0 [hbm:s6], $0xF7A  }
0x23: {  	s9 =	sor.u32 $0xD0000000, s2;
	s6 =	simm.s32 $0x108;
	_ =	swait.ge @!p0 [sflag:s8], $0x0  }
0x24: {  	s3 =	sadd.s32 $0x88, s3;
	s6 =	simm.s32 @!p1 $0x1082;
	[sflag:s4] =	ssyncset.s32 $0xFFFFF086  }
0x25: {  	[simem:s6], [sflag:s4] =	dma.local [hbm:s3], $0xF7A  }
0x26: {  	[smem:$0x3F9E] =	sst s1;
	(tag) =	ssettag s2;
	_ =	strace s9  }
0x27: {  	s1 =	sld [smem:$0x3FAE]  }
0x28: {  	s2 =	sld [smem:$0x3FAF]  }
0x29: {  	s4 =	sld [smem:$0x3FB1]  }
0x2a: {  	p0 =	seq.s32 s5, $0x0;
	s5 =	sld [smem:$0x3FB2]  }
0x2b: {  	s6 =	sld [smem:$0x3FB3]  }
0x2c: {  	s7 =	sld [smem:$0x3FB4]  }
0x2d: {  	s3 =	simm.s32 $0x108;
	s8 =	sld [smem:$0x3FB5]  }
0x2e: {  	s3 =	simm.s32 @!p0 $0x1082;
	s9 =	sld [smem:$0x3FB6]  }
0x2f: {  	lr =	sadd.s32 s0, s3;
	s0 =	sld [smem:$0x3FAD]  }
0x30: {  	s3 =	sld [smem:$0x3FB0]  }
0x31: {  	[smem:$0x3FB9] =	sst s10  }
0x32: {  	s10 =	sld [smem:$0x3FB7];
	_ =	sdelay $0x3  }
0x33: {  	p0 =	seq.s32 s10, $0x1;
	s10 =	sld [smem:$0x3FB9];
	_ =	sdelay $0x3  }
0x34: {  	[smem:$0x3FB9] =	sst s10  }
0x35: {  	s10 =	sld [smem:$0x3FB8];
	_ =	sdelay $0x3  }
0x36: {  	p1 =	seq.s32 s10, $0x1;
	s10 =	sld [smem:$0x3FB9];
	_ =	sdelay $0x3  }
0x37: {  	[smem:$0x3FB9] =	sst s10  }
0x38: {  	s10 =	sld [smem:$0x3FBA]  }
0x39: {  	_ = 	snop;
	(pc) =	sbr.ind lr, $3  }
0x3a: {  	_ = 	snop  }
0x3b: {  	_ = 	snop  }
0x3c: {  	p2 =	seq.s32 s10, $0x1;
	s10 =	sld [smem:$0x3FB9]  }
0x3d: {  	_ =	shalt  }
0x3e: {  	_ =	shalt  }
0x3f: {  	_ =	shalt  }
0x40: {  	_ =	shalt  }
0x41: {  	_ =	shalt  }
0x42: {  	_ =	shalt  }
0x43: {  	_ =	shalt  }
0x44: {  	_ =	shalt  }
0x45: {  	_ =	shalt  }
0x46: {  	_ =	shalt  }
0x47: {  	_ =	shalt  }
0x48: {  	_ =	shalt  }
0x49: {  	_ =	shalt  }
0x4a: {  	_ =	shalt  }
0x4b: {  	_ =	shalt  }
0x4c: {  	_ =	shalt  }
0x4d: {  	_ =	shalt  }
0x4e: {  	_ =	shalt  }
0x4f: {  	_ =	shalt  }
0x50: {  	_ =	shalt  }
0x51: {  	_ =	shalt  }
0x52: {  	_ =	shalt  }
0x53: {  	_ =	shalt  }
0x54: {  	_ =	shalt  }
0x55: {  	_ =	shalt  }
0x56: {  	_ =	shalt  }
0x57: {  	_ =	shalt  }
0x58: {  	_ =	shalt  }
0x59: {  	_ =	shalt  }
0x5a: {  	_ =	shalt  }
0x5b: {  	_ =	shalt  }
0x5c: {  	_ =	shalt  }
0x5d: {  	_ =	shalt  }
0x5e: {  	_ =	shalt  }
0x5f: {  	_ =	shalt  }
0x60: {  	_ =	shalt  }
0x61: {  	_ =	shalt  }
0x62: {  	_ =	shalt  }
0x63: {  	_ =	shalt  }
0x64: {  	_ =	shalt  }
0x65: {  	_ =	shalt  }
0x66: {  	_ =	shalt  }
0x67: {  	_ =	shalt  }
0x68: {  	_ =	shalt  }
0x69: {  	_ =	shalt  }
0x6a: {  	_ =	shalt  }
0x6b: {  	_ =	shalt  }
0x6c: {  	_ =	shalt  }
0x6d: {  	_ =	shalt  }
0x6e: {  	_ =	shalt  }
0x6f: {  	_ =	shalt  }
0x70: {  	_ =	shalt  }
0x71: {  	_ =	shalt  }
0x72: {  	_ =	shalt  }
0x73: {  	_ =	shalt  }
0x74: {  	_ =	shalt  }
0x75: {  	_ =	shalt  }
0x76: {  	_ =	shalt  }
0x77: {  	_ =	shalt  }
0x78: {  	_ =	shalt  }
0x79: {  	_ =	shalt  }
0x7a: {  	_ =	shalt  }
0x7b: {  	_ =	shalt  }
0x7c: {  	_ =	shalt  }
0x7d: {  	_ =	shalt  }
0x7e: {  	_ =	shalt  }
0x7f: {  	_ =	shalt  }
0x80: {  	_ =	shalt  }
0x81: {  	_ =	shalt  }
0x82: {  	_ =	shalt  }
0x83: {  	_ =	shalt  }
0x84: {  	_ =	shalt  }
0x85: {  	_ =	shalt  }
0x86: {  	_ =	shalt  }
0x87: {  	_ =	shalt  }
.Lfunc_end0:
.L_simem_size_0:
called_computation.1_lowered:
.L_overlay_start_0:
0x88: {  	s2 =	sld [smem:$0x3FD9]  }
0x89: {  	s3 =	sld [smem:$0x3FFE];
	_ =	sdelay $0x1  }
0x8a: {  	s1 =	srdreg.scid  }
0x8b: {  	s0 =	sand.u32 $0x1, s1  }
0x8c: {  	s17 =	sshll.u32 s0, $0xA;
	s2 =	sadd.s32 s3, s2  }
0x8d: {  	s2 =	sadd.s32 s2, s17  }
0x8e: {  	[smem:$0x3FC5] =	sst s2  }
0x8f: {  	_ = 	snop  }
0x90: {  	s2 =	sld [smem:$0x3FC8];
	(tm) =	ssettm $0x1  }
0x91: {  	s18 =	sld [smem:$0x3FFB];
	_ =	sdelay $0x3  }
0x92: {  	_ =	strace s18  }
0x93: {  	s3 =	sld [smem:$0x3FFC];
	_ =	sdelay $0x3  }
0x94: {  	_ =	strace s3  }
0x95: {  	s3 =	sld [smem:$0x3FFD];
	_ =	sdelay $0x3  }
0x96: {  	_ =	strace s3  }
0x97: {  	_ =	strace $0x8FFFFFFF  }
0x98: {  	s19 =	sld [smem:$0x3FDB];
	_ =	sdelay $0x1  }
0x99: {  	s4 =	simm.s32 $_scs_section_size  }
0x9a: {  	s5 =	simm.s32 $_size__tile_overlayer_lowered;
	s6 =	simm.s32 $_tile_overlayer_lowered  }
0x9b: {  	s22 =	simm.s32 $0x1BFF;
	s21 =	sshll.u32 s6, $0x1;
	s3 =	sadd.s32 s4, s19  }
0x9c: {  	s7 =	simm.s32 $0x0;
	s20 =	sshll.u32 s5, $0x1;
	s5 =	sadd.s32 s21, s3  }
0x9d: {  	[timem:s7], [sflag:s22] =	dma.local [hbm:s5], s20  }
0x9e: {  	_ =	swait.ge [sflag:s22], s20  }
0x9f: {  	s4 =	ssub.s32 $0x0, s20;
	[sflag:s22] =	ssyncset.done $0x0  }
0xa0: {  	[sflag:s22] =	ssyncadd.s32 s4;
	_ =	sdelay $0x1  }
0xa1: {  	s23 =	simm.s32 $0x1B8B  }
0xa2: {  	_ =	swait.ge [sflag:s23], $0x1  }
0xa3: {  	[sflag:s23] =	ssyncset.done $0x0  }
0xa4: {  	s25 =	simm.s32 $0x1B8E;
	s24 =	sld [smem:$0x3FFE];
	[sflag:s23] =	ssyncadd.s32 $0xFFFFFFFF  }
0xa5: {  	s26 =	simm.s32 $execute0_lowered;
	[smem:$0x3FD2] =	sst s25  }
0xa6: {  	s5 =	sshll.u32 s26, $0x1;
	_ =	strace $0x80000049;
	[dreg:$0x1] =	wrdreg $0xFFFFFFFF  }
0xa7: {  	s28 =	simm.s32 $_size_execute0_lowered;
	s3 =	sadd.s32 s3, s5;
	[dreg:$0x0] =	wrdreg $0x0  }
0xa8: {  	s5 =	sshll.u32 s28, $0x1;
	[dreg:$0x2] =	wrdreg s3  }
0xa9: {  	[dreg:$0x3] =	wrdreg s5  }
0xaa: {  	[dreg:$0x4] =	wrdreg $0xC0  }
0xab: {  	_ =	task [dreg:s7], $0x5FFFF  }
0xac: {  	[dreg:$0x1] =	wrdreg $0xFFFFFFFF  }
0xad: {  	[dreg:$0x0] =	wrdreg $0x60  }
0xae: {  	[dreg:$0x2] =	wrdreg s24  }
0xaf: {  	[dreg:$0x3] =	wrdreg s2  }
0xb0: {  	[dreg:$0x4] =	wrdreg $0x9  }
0xb1: {  	_ =	task.clear_ibuf [dreg:s7], $0x5FFFF;
	_ =	strace $0x90000049  }
0xb2: {  	s29 =	simm.s32 $0x9;
	_ =	strace $0x8000004B  }
0xb3: {  	_ =	swait.ge [sflag:s29], $0x1  }
0xb4: {  	[sflag:s29] =	ssyncadd.s32 $0xFFFFFFFF  }
0xb5: {  	_ =	strace $0x9000004B  }
0xb6: {  	_ =	sfence  }
0xb7: {  	s30 =	sld [smem:$0x0];
	_ =	sdelay $0x2  }
0xb8: {  	s31 =	sshll.u32 s1, $0xD;
	s1 =	sshrl.u32 s1, $0x2  }
0xb9: {  	s3 =	sand.u32 $0x4000, s31;
	s1 =	sadd.s32 s1, s30  }
0xba: {  	s0 =	sor.u32 s3, s0;
	s1 =	sshll.u32 s1, $0x11  }
0xbb: {  	s0 =	sor.u32 s1, s0  }
0xbc: {  	s0 =	sadd.s32 $0x8F2B, s0  }
0xbd: {  	[sflag:s0] =	ssyncadd.remote.s32 $0x1  }
0xbe: {  	_ =	sfence.sel $0xFFFF  }
0xbf: {  	[dreg:$0x0] =	wrdreg $0xFFFFFFFF;
	(pc) =	sbr.abs _section_cstart, $3  }
0xc0: {  	[dreg:$0x1] =	wrdreg $0xFFFFFFFF  }
0xc1: {  	_ =	task.clear_ibuf [dreg:s7], $0x2FFFF;
	_ =	strace $0x9FFFFFFF  }
0xc2: {  	(tm) =	ssettm $0x7FFFFFFF  }
0xc3: {  	_ =	shalt  }
tec
execute0_lowered:
.L_overlay_start_1:
0x0: {  	(tag) =	ssettag $0x1  }
0x1: {  	s1 =	srdreg.scid  }
0x2: {  	s10 =	rddreg [dreg:$0x0];
	s0 =	stileid.u32;
	s6 =	sand.u32 $0x1, s1  }
0x3: {  	s3 =	rddreg [dreg:$0x1];
	s4 =	sshll.u32 s0, $0x5;
	s5 =	sshll.u32 s6, $0x4  }
0x4: {  	s2 =	simm.s32 $0x0;
	s1 =	rddreg [dreg:$0x2];
	s11 =	sor.u32 s5, s4  }
0x5: {  	[smem:$0x7FF] =	sst s2;
	s4 =	sshrl.u32 s11, $0x3  }
0x6: {  	_ =	strace $0x8000004A;
	s4 =	sadd.s32 s3, s4;
	s3 =	simm.s32 $0x2  }
0x7: {  	[tilespmem:s2], [sflag:$0x2] =	stream.linear.gather [hbm4b:s4+s2], $0x10, $0x38;
	[tilespmem:$0x900] =	vst v63  }
0x8: {  	_ =	swait.ge [sflag:s3], $0x10  }
0x9: {  	[sflag:s3] =	ssyncset.done $0x0  }
0xa: {  	[sflag:s3] =	ssyncadd.s32 $0xFFFFFFF0  }
0xb: {  	v1 =	vld [tilespmem:$0x0];
	_ =	sdelay $0x1  }
0xc: {  	v0 =	vlaneseq.u32  }
0xd: {  	v0 =	vmul.u32 $0x20, v0;
	v2 =	vmov s11  }
0xe: {  	s7 =	simm.s32 $0x80;
	s12 =	ssub.s32 $0x2, s6;
	v2 =	vshll.u32 v2, $0x5  }
0xf: {  	s8 =	simm.s32 $0x100;
	s9 =	simm.s32 $0x1;
	s13 =	sshrl.u32 s12, $0x1;
	v0 =	vor.u32 v0, v2;
	v1 =	vshra.s32 v1, $0x1  }
0x10: {  	s6 =	simm.s32 $0x10;
	s11 =	sshll.u32 s11, $0x4;
	s31 =	ssub.s32 s12, s13;
	v1 =	vadd.s32 v0, v1  }
0x11: {  	s5 =	sadd.s32 $0xC00, s10;
	s10 =	sadd.s32 s11, s10;
	s11 =	smax.u32 s31, $0x1;
	[tilespmem:$0x80] =	vst v1  }
0x12: {  	[tilespmem:s8], [sflag:$0x1] =	stream.indirect.gather [hbm4b:s5+s6], $0x80, s7, s6, $0xb8;
	[tilespmem:$0x900] =	vst v63  }
0x13: {  	p0 =	sne.s32 s11, $0x1;
	_ =	swait.ge [sflag:s9], $0x800  }
.Ltmp0:
0x14: {  	[sflag:s9] =	ssyncset.done $0x0;
	(pc) =	sbr.rel @!p0 .LBB2_2-.Ltmp0, $4  }
0x15: {  	s10 =	sadd.s32 $0x40C00, s10;
	[sflag:s9] =	ssyncadd.s32 $0xFFFFF800  }
0x16: {  	[hbm4b:s10+s2] =	stream.linear.scatter [tilespmem:s8], [sflag:$0x2], $0x800, $0x38;
	[tilespmem:$0x900] =	vst v63  }
0x17: {  	_ =	swait.ge [sflag:s3], $0x800  }
0x18: {  	s11 =	sadd.s32 $0xFFFFFFFF, s11;
	[sflag:s3] =	ssyncset.done $0x0  }
.LBB2_1:
0x19: {  	p0 =	sne.s32 s11, $0x1;
	s11 =	sadd.s32 $0xFFFFFFFF, s11;
	[sflag:s3] =	ssyncadd.s32 $0xFFFFF800  }
0x1a: {  	[tilespmem:s2], [sflag:$0x2] =	stream.linear.gather [hbm4b:s4+s2], $0x10, $0x38;
	[tilespmem:$0x900] =	vst v63  }
0x1b: {  	_ =	swait.ge [sflag:s3], $0x10  }
0x1c: {  	[sflag:s3] =	ssyncset.done $0x0  }
0x1d: {  	[sflag:s3] =	ssyncadd.s32 $0xFFFFFFF0  }
0x1e: {  	v1 =	vld [tilespmem:$0x0];
	_ =	sdelay $0x4  }
0x1f: {  	v1 =	vshra.s32 v1, $0x1  }
0x20: {  	v1 =	vadd.s32 v0, v1  }
0x21: {  	[tilespmem:$0x80] =	vst v1  }
0x22: {  	[tilespmem:s8], [sflag:$0x1] =	stream.indirect.gather [hbm4b:s5+s6], $0x80, s7, s6, $0xb8;
	[tilespmem:$0x900] =	vst v63  }
0x23: {  	_ =	swait.ge [sflag:s9], $0x800  }
.Ltmp1:
0x24: {  	[sflag:s9] =	ssyncset.done $0x0;
	(pc) =	sbr.rel @p0 .LBB2_1-.Ltmp1, $4  }
0x25: {  	[sflag:s9] =	ssyncadd.s32 $0xFFFFF800  }
0x26: {  	[hbm4b:s10+s2] =	stream.linear.scatter [tilespmem:s8], [sflag:$0x2], $0x800, $0x38;
	[tilespmem:$0x900] =	vst v63  }
0x27: {  	_ =	swait.ge [sflag:s3], $0x800  }
0x28: {  	[sflag:s3] =	ssyncset.done $0x0  }
.LBB2_2:
0x29: {  	[sflag:s3] =	ssyncadd.s32 $0xFFFFF800  }
0x2a: {  	_ =	sfence.sel $0x180000  }
0x2b: {  	[bflag:$0x0] =	sbarrier.arrive $0xFFFF  }
0x2c: {  	p0 =	sne.s32 s0, $0x0;
	_ =	strace $0x9000004A  }
0x2d: {  	s0 =	sadd.s32 @!p0 $0x100000, s1;
	[bflag:$0x2] =	sbarrier.arrive $0xFFFF  }
0x2e: {  	[sflag:s0] =	ssyncadd.tile.s32 @!p0 $0x1;
	_ =	shalt  }
.Lfunc_end2:
_tile_overlayer_lowered:
.L_overlay_start_2:
0x2f: {  	(tag) =	ssettag $0x2  }
0x30: {  	s0 =	rddreg [dreg:$0x0];
	s2 =	stileid.u32  }
0x31: {  	s1 =	rddreg [dreg:$0x1];
	p0 =	sne.s32 s2, $0x0  }
0x32: {  	s3 =	rddreg [dreg:$0x2];
	[bflag:$0x3] =	sbarrier.arrive $0xFFFF;
	s2 =	simm.s32 @!p0 $0x1C02  }
0x33: {  	[timem:s3], [sflag:s2] =	dma.local @!p0 [hbm:s0], s1  }
0x34: {  	s0 =	simm.s32 @!p0 $0x2  }
0x35: {  	_ =	swait.ge @!p0 [sflag:s0], s1  }
0x36: {  	s1 =	ssub.s32 @!p0 $0x0, s1;
	[sflag:s0] =	ssyncset.done @!p0 $0x0  }
0x37: {  	[sflag:s0] =	ssyncadd.s32 @!p0 s1  }
0x38: {  	[bflag:$0x3] =	sbarrier.arrive $0xFFFF  }
0x39: {  	_ =	shalt  }

// kernel: sparse-core-data-format-call.cloned.1.call-start
scs
called_computation_lowered:
.L_overlay_start_0:
0x0: {  	s1 =	sld [smem:$0x3FD9]  }
0x1: {  	s2 =	sld [smem:$0x3FFE];
	_ =	sdelay $0x1  }
0x2: {  	s3 =	srdreg.scid  }
0x3: {  	s0 =	sand.u32 $0x1, s3  }
0x4: {  	s17 =	sshll.u32 s0, $0xA;
	s1 =	sadd.s32 s2, s1  }
0x5: {  	s1 =	sadd.s32 s1, s17  }
0x6: {  	[smem:$0x3FC5] =	sst s1  }
0x7: {  	_ = 	snop  }
0x8: {  	(tm) =	ssettm $0x1  }
0x9: {  	s18 =	sld [smem:$0x3FFB];
	_ =	sdelay $0x3  }
0xa: {  	_ =	strace s18  }
0xb: {  	s1 =	sld [smem:$0x3FFC];
	_ =	sdelay $0x3  }
0xc: {  	_ =	strace s1  }
0xd: {  	s1 =	sld [smem:$0x3FFD];
	_ =	sdelay $0x3  }
0xe: {  	_ =	strace s1  }
0xf: {  	_ =	strace $0x8FFFFFFF  }
0x10: {  	s19 =	sld [smem:$0x3FDB];
	_ =	sdelay $0x1  }
0x11: {  	s20 =	simm.s32 $_scs_section_size  }
0x12: {  	s4 =	simm.s32 $_size__tile_overlayer_lowered;
	s5 =	simm.s32 $_tile_overlayer_lowered  }
0x13: {  	s23 =	simm.s32 $0x1BFF;
	s22 =	sshll.u32 s5, $0x1;
	s1 =	sadd.s32 s20, s19  }
0x14: {  	s6 =	simm.s32 $0x0;
	s21 =	sshll.u32 s4, $0x1;
	s4 =	sadd.s32 s22, s1  }
0x15: {  	[timem:s6], [sflag:s23] =	dma.local [hbm:s4], s21  }
0x16: {  	_ =	swait.ge [sflag:s23], s21  }
0x17: {  	s2 =	ssub.s32 $0x0, s21;
	[sflag:s23] =	ssyncset.done $0x0  }
0x18: {  	[sflag:s23] =	ssyncadd.s32 s2;
	_ =	sdelay $0x1  }
0x19: {  	s24 =	simm.s32 $0x1B8B  }
0x1a: {  	_ =	swait.ge [sflag:s24], $0x1  }
0x1b: {  	[sflag:s24] =	ssyncset.done $0x0  }
0x1c: {  	s26 =	simm.s32 $0x1B8E;
	s25 =	sld [smem:$0x3FFE];
	[sflag:s24] =	ssyncadd.s32 $0xFFFFFFFF  }
0x1d: {  	s27 =	simm.s32 $execute0_lowered;
	[smem:$0x3FD2] =	sst s26  }
0x1e: {  	s4 =	sshll.u32 s27, $0x1;
	_ =	strace $0x80000046;
	[dreg:$0x1] =	wrdreg $0xFFFFFFFF  }
0x1f: {  	s28 =	simm.s32 $_size_execute0_lowered;
	s1 =	sadd.s32 s1, s4;
	[dreg:$0x0] =	wrdreg $0x0  }
0x20: {  	s4 =	sshll.u32 s28, $0x1;
	[dreg:$0x2] =	wrdreg s1  }
0x21: {  	[dreg:$0x3] =	wrdreg s4  }
0x22: {  	[dreg:$0x4] =	wrdreg $0xC0  }
0x23: {  	_ =	task [dreg:s6], $0x5FFFF  }
0x24: {  	[dreg:$0x1] =	wrdreg $0xFFFFFFFF  }
0x25: {  	[dreg:$0x0] =	wrdreg $0x60  }
0x26: {  	[dreg:$0x2] =	wrdreg s25  }
0x27: {  	[dreg:$0x3] =	wrdreg $0x9  }
0x28: {  	_ =	task.clear_ibuf [dreg:s6], $0x4FFFF;
	_ =	strace $0x90000046  }
0x29: {  	s29 =	simm.s32 $0x9;
	_ =	strace $0x80000048  }
0x2a: {  	_ =	swait.ge [sflag:s29], $0x1  }
0x2b: {  	[sflag:s29] =	ssyncadd.s32 $0xFFFFFFFF  }
0x2c: {  	_ =	strace $0x90000048  }
0x2d: {  	_ =	sfence  }
0x2e: {  	s30 =	sld [smem:$0x0];
	_ =	sdelay $0x2  }
0x2f: {  	s31 =	sshll.u32 s3, $0xD;
	s3 =	sshrl.u32 s3, $0x2  }
0x30: {  	s2 =	sand.u32 $0x4000, s31;
	s1 =	sadd.s32 s3, s30  }
0x31: {  	s0 =	sor.u32 s2, s0;
	s1 =	sshll.u32 s1, $0x11  }
0x32: {  	s0 =	sor.u32 s1, s0  }
0x33: {  	s0 =	sadd.s32 $0x8F2B, s0  }
0x34: {  	[sflag:s0] =	ssyncadd.remote.s32 $0x1  }
0x35: {  	_ =	sfence.sel $0xFFFF  }
0x36: {  	[dreg:$0x0] =	wrdreg $0xFFFFFFFF;
	(pc) =	sbr.abs _section_cstart, $3  }
0x37: {  	[dreg:$0x1] =	wrdreg $0xFFFFFFFF  }
0x38: {  	_ =	task.clear_ibuf [dreg:s6], $0x2FFFF;
	_ =	strace $0x9FFFFFFF  }
0x39: {  	(tm) =	ssettm $0x7FFFFFFF  }
tec
execute0_lowered:
.L_overlay_start_1:
0x0: {  	(tag) =	ssettag $0x1  }
0x1: {  	s1 =	rddreg [dreg:$0x0]  }
0x2: {  	s0 =	rddreg [dreg:$0x1]  }
0x3: {  	_ =	strace $0x80000047;
	s4 =	srdreg.scid;
	s6 =	simm.s32 $0x2  }
0x4: {  	s13 =	simm.s32 $0x0;
	s11 =	simm.s32 $0x0;
	s12 =	simm.s32 $0x0  }
.Ltmp0:
0x5: {  	s8 =	simm.s32 $0x0;
	s9 =	simm.s32 $0x0;
	(pc) =	sbr.rel .LBB1_1-.Ltmp0, $4  }
0x6: {  	s2 =	sadd.s32 $0xC00, s1;
	s3 =	sadd.s32 $0x100C00, s1;
	s5 =	sshll.u32 s4, $0x4  }
0x7: {  	s1 =	stileid.u32;
	s4 =	simm.s32 $0x1;
	s5 =	sand.u32 $0x10, s5  }
0x8: {  	s7 =	simm.s32 $0x0;
	[sflag:s4] =	ssyncpa.u1 $0x0;
	s5 =	sor.u32 s1, s5  }
0x9: {  	[sflag:s6] =	ssyncpa.u1 $0x0;
	s6 =	simm.s32 $0x80;
	s10 =	smov.u32 s5  }
.LBB1_7:
0xa: {  	s14 =	sadd.s32 $0x200, s8  }
0xb: {  	s11 =	sadd.s32 $0x40, s9;
	s15 =	smov.u32 s9;
	p1 =	sgt.s32 s14, $0xFFF  }
0xc: {  	s15 =	smov.u32 @p1 s11  }
0xd: {  	s17 =	smov.u32 s10;
	s11 =	sadd.s32 $0x20, s10;
	p2 =	sgt.s32 s15, $0x3F  }
0xe: {  	p0 =	slt.u32 s7, $0x2;
	s17 =	smov.u32 @p2 s11  }
0xf: {  	s7 =	sadd.s32 $0x1, s7;
	s14 =	simm.s32 @p1 $0x0;
	p1 =	sgt.s32 s17, $0x3F  }
0x10: {  	s17 =	smov.u32 @p1 s5;
	p1 =	sne.s32 s7, $0x12  }
.Ltmp1:
0x11: {  	s16 =	simm.s32 @!p0 $0x2;
	(pc) =	sbr.rel @!p1 .LBB1_8-.Ltmp1, $4  }
0x12: {  	_ =	swait.ge @!p0 [sflag:s16], $0x4000  }
0x13: {  	s13 =	smov.u32 s8;
	s12 =	smov.u32 s10;
	[sflag:s16] =	ssyncset.done @!p0 $0x0  }
0x14: {  	s8 =	smov.u32 s14;
	s15 =	simm.s32 @p2 $0x0;
	s11 =	smov.u32 s9  }
0x15: {  	[sflag:s16] =	ssyncadd.s32 @!p0 $0xFFFFC000;
	s9 =	smov.u32 s15;
	s10 =	smov.u32 s17  }
.LBB1_1:
0x16: {  	p0 =	sgt.u32 s7, $0xF  }
0x17: {  	s14 =	sshll.u32 @!p0 s9, $0xC  }
0x18: {  	s15 =	sxor.u32 @!p0 $0xFFFFFFFF, s7;
	s16 =	sshll.u32 @!p0 s8, $0x3;
	s17 =	sshll.u32 @!p0 s9, $0x7  }
0x19: {  	s18 =	sshll.u32 @!p0 s8, $0x1;
	s14 =	sand.u32 @!p0 $0x38000, s14;
	s17 =	sand.u32 @!p0 $0x300, s17  }
0x1a: {  	s18 =	sand.u32 @!p0 $0xF0, s18;
	s14 =	sadd.s32 @!p0 s14, s16;
	s16 =	sand.u32 @!p0 $0xC00, s16  }
0x1b: {  	s16 =	sor.u32 @!p0 s17, s16;
	s17 =	sshll.u32 @!p0 s10, $0xE;
	s14 =	sshrl.u32 @!p0 s14, $0x4  }
0x1c: {  	s16 =	sor.u32 @!p0 s18, s16;
	s14 =	sand.u32 @!p0 $0x3F00, s14;
	s17 =	sadd.s32 @!p0 s2, s17  }
0x1d: {  	s16 =	sshrl.u32 @!p0 s16, $0x4;
	s14 =	sadd.s32 @!p0 s14, s17;
	s17 =	sand.u32 @!p0 $0x7, s8  }
0x1e: {  	s15 =	sshll.u32 @!p0 s15, $0xE;
	s14 =	sadd.s32 @!p0 s16, s14;
	s16 =	sshll.u32 @!p0 s17, $0x12  }
0x1f: {  	s15 =	sand.u32 @!p0 $0x4000, s15;
	s17 =	simm.s32 @!p0 $0x4000;
	s16 =	sor.u32 @!p0 $0x800, s16  }
0x20: {  	[tilespmem:s15], [sflag:$0x1] =	stream.strided.gather @!p0 [hbm4b:s14+s16], $0x4000, s17, s16, $0x38;
	[tilespmem:$0x10200] =	vst v63  }
0x21: {  	p0 =	seq.s32 s7, $0x0  }
0x22: {  	p1 =	seq.s32 @!p0 s7, $0x11  }
0x23: {  	p0 =	por p0, p1  }
.Ltmp2:
0x24: {  	_ = 	snop;
	(pc) =	sbr.rel @p0 .LBB1_7-.Ltmp2, $1  }
0x25: {  	_ =	sdelay $0x3  }
0x26: {  	s14 =	sand.u32 $0x1, s7  }
0x27: {  	_ =	swait.ge [sflag:s4], $0x4000;
	s15 =	smul.u32 $0x10400, s14  }
0x28: {  	[sflag:s4] =	ssyncset.done $0x0  }
0x29: {  	[sflag:s4] =	ssyncadd.s32 $0xFFFFC000;
	s16 =	sshrl.u32 s15, $0x2  }
0x2a: {  	s15 =	sshll.u32 s14, $0xE;
	s14 =	sor.u32 $0x8000, s16;
	s16 =	simm.s32 $0x0  }
.LBB1_3:
0x2b: {  	s17 =	sshll.u32 s16, $0x9  }
0x2c: {  	s18 =	sshll.u32 s16, $0x7;
	s19 =	sshll.u32 s16, $0x6;
	s30 =	sshll.u32 s16, $0x1  }
0x2d: {  	s31 =	sand.u32 $0x1E, s16;
	s20 =	sand.u32 $0x3FFFFFE0, s16;
	s22 =	sshrl.u32 s16, $0x5  }
0x2e: {  	p0 =	por $0x1, $0x1;
	s25 =	simm.s32 $0x0;
	s17 =	sand.u32 $0x7000, s17  }
0x2f: {  	s18 =	sand.u32 $0x300, s18;
	s29 =	sand.u32 $0x80, s19;
	s19 =	sadd.s32 s31, s14  }
0x30: {  	s17 =	sor.u32 s17, s18;
	s21 =	sadd.s32 s29, s15;
	s18 =	sshra.s32 s30, $0x1  }
0x31: {  	s19 =	sadd.s32 s20, s19;
	s20 =	sxor.u32 $0xFFFFFFFF, s22;
	s18 =	sadd.s32 s18, s14;
	v0 =	vmov s21  }
.LBB1_4:
0x32: {  	s21 =	sshll.u32 s25, $0x3  }
0x33: {  	s21 =	sor.u32 s21, s17  }
0x34: {  	s21 =	sshrl.u32 s21, $0x1  }
0x35: {  	s22 =	sand.u32 $0x3D00, s21  }
0x36: {  	v1 =	vld.idx.msk [tilespmem:v0+s22+$0x0 ss:$0x1], $0xffff  }
0x37: {  	v2 =	vld.idx.msk [tilespmem:v0+s22+$0x10 ss:$0x1], $0xffff  }
0x38: {  	s24 =	sor.u32 $0x80, s25;
	v3 =	vld.idx.msk [tilespmem:v0+s22+$0x20 ss:$0x1], $0xffff  }
0x39: {  	s29 =	sshll.u32 s24, $0x3;
	v4 =	vld.idx.msk [tilespmem:v0+s22+$0x30 ss:$0x1], $0xffff  }
0x3a: {  	s21 =	sor.u32 s17, s29  }
0x3b: {  	s26 =	smul.u32 $0x82, s25;
	s23 =	sor.u32 $0xA0, s25;
	s21 =	sshrl.u32 s21, $0x1;
	v6 =	vld.idx.msk [tilespmem:v0+s22+$0x50 ss:$0x1], $0xffff  }
0x3c: {  	s28 =	sshll.u32 s23, $0x3;
	v5 =	vld.idx.msk [tilespmem:v0+s22+$0x40 ss:$0x1], $0xffff;
	s27 =	sand.u32 $0x3F00, s21;
	s21 =	sor.u32 $0xC0, s25  }
0x3d: {  	s26 =	sshra.s32 s26, $0x2;
	s30 =	sand.u32 $0xC00, s28;
	v8 =	vld.idx.msk [tilespmem:v0+s22+$0x60 ss:$0x1], $0xffff;
	s31 =	sshll.u32 s21, $0x3;
	v2 =	vperm.xlane.i2c.b16 v2;
	v1 =	vperm.xlane.i2c.b16 v1  }
0x3e: {  	s29 =	sand.u32 s20, s25;
	v7 =	vld.idx.msk [tilespmem:v0+s27+$0x0 ss:$0x1], $0xffff;
	s27 =	sor.u32 s17, s30;
	s28 =	sand.u32 $0xC00, s31;
	v4 =	vperm.xlane.i2c.b16 v4;
	v3 =	vperm.xlane.i2c.b16 v3  }
0x3f: {  	s29 =	smul.u32 $0x82, s29;
	s27 =	sshrl.u32 s27, $0x1;
	s28 =	sor.u32 s17, s28;
	v9 =	vcombine.low v1, v2;
	v1 =	vcombine.high v1, v2;
	v2 =	vld.idx.msk [tilespmem:v0+s22+$0x70 ss:$0x1], $0xffff  }
0x40: {  	s26 =	sadd.s32 s26, s18;
	v10 =	vld.idx.msk [tilespmem:v0+s22+$0x210 ss:$0x1], $0xffff;
	s27 =	sand.u32 $0x3F00, s27;
	s28 =	sshrl.u32 s28, $0x1;
	v6 =	vperm.xlane.i2c.b16 v6  }
0x41: {  	s25 =	sor.u32 $0xE0, s25;
	s29 =	sshra.s32 s29, $0x2;
	v5 =	vperm.xlane.i2c.b16 v5;
	v11 =	vld.idx.msk [tilespmem:v0+s27+$0x20 ss:$0x1], $0xffff;
	s30 =	sand.u32 $0x3F00, s28;
	v51 =	vcombine.low v3, v4  }
0x42: {  	s31 =	sshll.u32 s25, $0x3;
	v54 =	vperm.xlane.i2c.b16 v8;
	v12 =	vld.idx.msk [tilespmem:v0+s30+$0x40 ss:$0x1], $0xffff;
	s30 =	sadd.s32 s29, s19;
	[tilespmem:s26+$0x0 ss:$0x41] =	vst.msk $0xffff, v9  }
0x43: {  	v53 =	vld.idx.msk [tilespmem:v0+s22+$0x230 ss:$0x1], $0xffff;
	s28 =	sand.u32 $0xC00, s31;
	v3 =	vcombine.high v3, v4;
	v52 =	vcombine.high v5, v6;
	[tilespmem:s30+$0x410 ss:$0x41] =	vst.msk $0xffff, v51  }
0x44: {  	s31 =	sor.u32 s17, s28;
	[tilespmem:s26+$0x1 ss:$0x41] =	vst.msk $0xffff, v1;
	v1 =	vcombine.low v5, v6;
	v2 =	vperm.xlane.i2c.b16 v2  }
0x45: {  	s24 =	smul.u32 $0x82, s24;
	v55 =	vld.idx.msk [tilespmem:v0+s22+$0x250 ss:$0x1], $0xffff;
	v7 =	vperm.xlane.i2c.b16 v7;
	s27 =	sshrl.u32 s31, $0x1;
	[tilespmem:s30+$0x411 ss:$0x41] =	vst.msk $0xffff, v3;
	v3 =	vperm.xlane.i2c.b16 v10  }
0x46: {  	v57 =	vld.idx.msk [tilespmem:v0+s22+$0x270 ss:$0x1], $0xffff;
	s27 =	sand.u32 $0x3F00, s27;
	[tilespmem:s30+$0x820 ss:$0x41] =	vst.msk $0xffff, v1;
	v1 =	vcombine.low v54, v2  }
0x47: {  	v56 =	vld.idx.msk [tilespmem:v0+s27+$0x60 ss:$0x1], $0xffff;
	s27 =	sshra.s32 s24, $0x2;
	v59 =	vperm.xlane.i2c.b16 v11;
	v58 =	vcombine.low v7, v3;
	[tilespmem:s30+$0x821 ss:$0x41] =	vst.msk $0xffff, v52  }
0x48: {  	s23 =	smul.u32 $0x82, s23;
	s22 =	sadd.s32 s27, s18;
	v2 =	vcombine.high v54, v2;
	[tilespmem:s30+$0xC30 ss:$0x41] =	vst.msk $0xffff, v1;
	v1 =	vperm.xlane.i2c.b16 v53  }
0x49: {  	v3 =	vcombine.high v7, v3;
	v60 =	vperm.xlane.i2c.b16 v12;
	[tilespmem:s22+$0x0 ss:$0x41] =	vst.msk $0xffff, v58  }
0x4a: {  	s23 =	sshra.s32 s23, $0x2;
	s21 =	smul.u32 $0x82, s21;
	[tilespmem:s30+$0xC31 ss:$0x41] =	vst.msk $0xffff, v2;
	v2 =	vperm.xlane.i2c.b16 v55;
	v61 =	vcombine.low v59, v1  }
0x4b: {  	v62 =	vperm.xlane.i2c.b16 v57;
	s28 =	sadd.s32 s23, s18;
	[tilespmem:s22+$0x1 ss:$0x41] =	vst.msk $0xffff, v3;
	v1 =	vcombine.high v59, v1  }
0x4c: {  	p1 =	por p0, p0;
	s21 =	sshra.s32 s21, $0x2;
	s29 =	smul.u32 $0x82, s25;
	v63 =	vperm.xlane.i2c.b16 v56;
	v3 =	vcombine.low v60, v2;
	[tilespmem:s28+$0x0 ss:$0x41] =	vst.msk $0xffff, v61  }
.Ltmp3:
0x4d: {  	s21 =	sadd.s32 s21, s18;
	[tilespmem:s28+$0x1 ss:$0x41] =	vst.msk $0xffff, v1;
	v1 =	vcombine.high v60, v2;
	(pc) =	sbr.rel @p1 .LBB1_4-.Ltmp3, $4  }
0x4e: {  	s30 =	sshra.s32 s29, $0x2;
	[tilespmem:s21+$0x0 ss:$0x41] =	vst.msk $0xffff, v3;
	v2 =	vcombine.low v63, v62  }
0x4f: {  	s31 =	sadd.s32 s30, s18;
	[tilespmem:s21+$0x1 ss:$0x41] =	vst.msk $0xffff, v1;
	v1 =	vcombine.high v63, v62  }
0x50: {  	[tilespmem:s31+$0x0 ss:$0x41] =	vst.msk $0xffff, v2  }
0x51: {  	p0 =	por $0x0, $0x0;
	s25 =	simm.s32 $0x100;
	[tilespmem:s31+$0x1 ss:$0x41] =	vst.msk $0xffff, v1  }
0x52: {  	p0 =	slt.u32 s16, $0x3E  }
.Ltmp4:
0x53: {  	_ = 	snop;
	(pc) =	sbr.rel @p0 .LBB1_3-.Ltmp4, $3  }
0x54: {  	_ =	sdelay $0x1  }
0x55: {  	s17 =	sadd.s32 $0x2, s16  }
0x56: {  	s16 =	smov.u32 s17  }
0x57: {  	s13 =	sshll.u32 s13, $0x7;
	s15 =	sshll.u32 s11, $0x3  }
0x58: {  	s28 =	sshll.u32 s11, $0x1;
	s16 =	sand.u32 $0x7FC00, s13;
	s15 =	sand.u32 $0x7FC00, s15  }
0x59: {  	s12 =	sshll.u32 s12, $0xF;
	s13 =	sand.u32 $0x300, s13;
	s15 =	sadd.s32 s15, s16  }
0x5a: {  	s30 =	sshrl.u32 s11, $0x3;
	s29 =	sand.u32 $0x80, s28;
	s13 =	sor.u32 s13, s15  }
.Ltmp5:
0x5b: {  	s31 =	sand.u32 $0x7, s11;
	s13 =	sor.u32 s29, s13;
	(pc) =	sbr.rel .LBB1_7-.Ltmp5, $4  }
0x5c: {  	s12 =	sadd.s32 s3, s12;
	s15 =	sand.u32 $0x7, s30;
	s13 =	sshrl.u32 s13, $0x4  }
0x5d: {  	s11 =	sshll.u32 s31, $0x12;
	s12 =	sadd.s32 s15, s12;
	s13 =	sand.u32 $0x7FF8, s13  }
0x5e: {  	s11 =	sor.u32 $0x40, s11;
	s12 =	sadd.s32 s13, s12  }
0x5f: {  	[hbm4b:s12+s11] =	stream.strided.scatter [tilespmem:s14], [sflag:$0x2], $0x4000, s6, s11, $0x18;
	[tilespmem:$0x10200] =	vst v63  }
.LBB1_8:
0x60: {  	_ =	sfence.sel $0x180000  }
0x61: {  	s2 =	simm.s32 $0x1;
	[bflag:$0x0] =	sbarrier.arrive $0xFFFF  }
0x62: {  	s31 =	simm.s32 $0x2;
	[sflag:s2] =	ssyncpa.u1 $0x1  }
0x63: {  	[sflag:s31] =	ssyncpa.u1 $0x1  }
0x64: {  	p0 =	sne.s32 s1, $0x0;
	_ =	strace $0x90000047  }
0x65: {  	s0 =	sadd.s32 @!p0 $0x100000, s0;
	[bflag:$0x2] =	sbarrier.arrive $0xFFFF  }
0x66: {  	[sflag:s0] =	ssyncadd.tile.s32 @!p0 $0x1;
	_ =	shalt  }
.Lfunc_end1:
_tile_overlayer_lowered:
.L_overlay_start_2:
0x67: {  	(tag) =	ssettag $0x2  }
0x68: {  	s0 =	rddreg [dreg:$0x0];
	s2 =	stileid.u32  }
0x69: {  	s1 =	rddreg [dreg:$0x1];
	p0 =	sne.s32 s2, $0x0  }
0x6a: {  	s3 =	rddreg [dreg:$0x2];
	[bflag:$0x3] =	sbarrier.arrive $0xFFFF;
	s2 =	simm.s32 @!p0 $0x1C01  }
0x6b: {  	[timem:s3], [sflag:s2] =	dma.local @!p0 [hbm:s0], s1  }
0x6c: {  	s0 =	simm.s32 @!p0 $0x1  }
0x6d: {  	_ =	swait.ge @!p0 [sflag:s0], s1  }
0x6e: {  	s1 =	ssub.s32 @!p0 $0x0, s1;
	[sflag:s0] =	ssyncset.done @!p0 $0x0  }
0x6f: {  	[sflag:s0] =	ssyncadd.s32 @!p0 s1  }
0x70: {  	[bflag:$0x3] =	sbarrier.arrive $0xFFFF  }
0x71: {  	_ =	shalt  }

</sc_bundles>
